<compile_context>
chip_gen: v7x
topology: tpu7x:2x2x1
jax: 0.10.2.dev20260603
libtpu: 0.0.44.dev20260713+nightly
codegen_flags: <defaults>
</compile_context>

<pallas_src>
import functools
import math

import jax
import jax.numpy as jnp
from jax import lax
from jax.experimental import pallas as pl
from jax.experimental.pallas import tpu as pltpu
from jax.experimental.pallas import tpu_sc as plsc

_ROWS = 1024
_LOG2E = math.log2(math.e)
_LN2 = math.log(2.0)

_B = 4096
_N = 1000
_NW = 32
_RPW = _B // _NW
_CHUNK = 16


def _softplus(x):
    return jnp.maximum(x, 0.0) + jnp.log1p(jnp.exp(-jnp.abs(x)))


@functools.partial(
    pl.kernel,
    mesh=plsc.VectorSubcoreMesh(core_axis_name="c", subcore_axis_name="s"),
    out_type=jax.ShapeDtypeStruct((_B,), jnp.float32),
    scratch_types=[
        pltpu.VMEM((_CHUNK * _N,), jnp.float32),
        pltpu.VMEM((_CHUNK,), jnp.float32),
        pltpu.SemaphoreType.DMA,
    ],
)
def _sc_pos(tflat_hbm, pflat_hbm, out_hbm, buf, vals, sem):
    wid = lax.axis_index("s") * 2 + lax.axis_index("c")
    base_row = wid * _RPW
    lane = lax.iota(jnp.int32, 16)

    def chunk_body(ci, carry):
        r0 = base_row + ci * _CHUNK
        pltpu.sync_copy(tflat_hbm.at[pl.ds(r0 * _N, _CHUNK * _N)], buf)

        def row_body(r, fvec):
            row_off = r * _N

            def j_body(j, vm_vi):
                vmax, vidx = vm_vi
                off = jnp.minimum(j * 16, _N - 16)
                tv = buf[pl.ds(row_off + off, 16)]
                upd = tv > vmax
                return (
                    jnp.where(upd, tv, vmax),
                    jnp.where(upd, lane + off, vidx),
                )

            vmax0 = jnp.full((16,), -jnp.inf, jnp.float32)
            vidx0 = jnp.zeros((16,), jnp.int32)
            vmax, vidx = lax.fori_loop(0, (_N + 15) // 16, j_body, (vmax0, vidx0), unroll=9)
            m = vmax
            for k in (1, 2, 4, 8):
                m = jnp.maximum(m, m.at[lane ^ k].get(mode="promise_in_bounds"))
            cand = jnp.where(vmax == m, vidx, jnp.int32(1 << 30))
            for k in (1, 2, 4, 8):
                cand = jnp.minimum(
                    cand, cand.at[lane ^ k].get(mode="promise_in_bounds")
                )
            return jnp.where(lane == r, (r0 + r) * _N + cand, fvec)

        fvec = lax.fori_loop(0, _CHUNK, row_body, jnp.zeros((16,), jnp.int32))
        pltpu.async_copy(pflat_hbm.at[fvec], vals, sem).wait()
        pltpu.sync_copy(vals, out_hbm.at[pl.ds(r0, _CHUNK)])
        return carry

    lax.fori_loop(0, _RPW // _CHUNK, chunk_body, 0)


def _dense_block(p_ref, out_ref):
    p = p_ref[...]
    ones = jnp.ones((_N, 128), jnp.float32)

    def _rowsum(x):
        return jax.lax.dot_general(
            x, ones, (((1,), (0,)), ((), ())),
            preferred_element_type=jnp.float32,
        )[:, 0]

    q = p * _LOG2E
    mq = jnp.max(q, axis=1, keepdims=True)
    u = jnp.exp2(q - mq)
    lg = jnp.log2(jnp.exp2(-mq) + u)
    out_ref[0, :] = mq[:, 0]
    out_ref[1, :] = _rowsum(u)
    out_ref[2, :] = _rowsum(u * lg)


def _combine(stats_ref, pp_ref, o_ref):
    mq = stats_ref[0, :]
    sum_u = stats_ref[1, :]
    sum_ulg = stats_ref[2, :]
    pp = pp_ref[...]

    pos_score = -_softplus(-pp)
    u_pos = jnp.exp2(pp * _LOG2E - mq)
    denom = sum_u - u_pos
    neg_sum = _LN2 * (mq * sum_u + sum_ulg) - u_pos * _softplus(pp)
    neg_score = -neg_sum / denom

    total = jnp.sum(pos_score) + jnp.sum(neg_score)
    o_ref[0] = -total / (2.0 * _B)


def kernel(pred, target):
    b, n = pred.shape
    pos_pred = _sc_pos(target.reshape(-1), pred.reshape(-1))
    stats = pl.pallas_call(
        _dense_block,
        grid=(b // _ROWS,),
        in_specs=[pl.BlockSpec((_ROWS, n), lambda i: (i, 0))],
        out_specs=pl.BlockSpec((8, _ROWS), lambda i: (0, i)),
        out_shape=jax.ShapeDtypeStruct((8, b), jnp.float32),
    )(pred)
    loss = pl.pallas_call(
        _combine,
        in_specs=[
            pl.BlockSpec((8, b), lambda: (0, 0)),
            pl.BlockSpec((b,), lambda: (0,)),
        ],
        out_specs=pl.BlockSpec(memory_space=pltpu.SMEM),
        out_shape=jax.ShapeDtypeStruct((1,), jnp.float32),
    )(stats, pos_pred)
    return loss[0]

# --- scband reference (transcript-rebuilt; emitter-appended) ---
"""Pipeline reference for scband-nssaloss-72645076845010 (READ-ONLY COPY).

The authoritative reference and input builder live on the scoring server;
editing this copy changes nothing except your own understanding.
"""

import jax, jax.numpy as jnp
import numpy as np

TEMPERATURE = 1.0


def setup_inputs(seed: int = 0) -> dict:
    key = jax.random.key(seed)
    k1, k2 = jax.random.split(key)
    pred = jax.random.normal(k1, (4096, 1000), dtype=jnp.float32)
    target = jax.random.uniform(k2, (4096, 1000), dtype=jnp.float32)
    return {"pred": pred, "target": target}


def reference(pred, target):
    temperature = TEMPERATURE
    B, N = pred.shape
    # use_target_argmax=True: positive index is argmax of target per row
    pos_idx = jnp.argmax(target, axis=1)
    # gather positive predictions
    pos_pred = jnp.take_along_axis(pred, pos_idx[:, None], axis=1)[:, 0]
    # build negative predictions: all columns except pos_idx, preserving order
    cols = jnp.arange(N - 1)[None, :]
    neg_col_idx = cols + (cols >= pos_idx[:, None]).astype(jnp.int32)
    neg_pred = jnp.take_along_axis(pred, neg_col_idx, axis=1)
    pos_score = jax.nn.log_sigmoid(pos_pred)
    # self-adversarial weights are detached
    weights = jax.lax.stop_gradient(jax.nn.softmax(neg_pred * temperature, axis=1))
    neg_score = jnp.sum(weights * jax.nn.log_sigmoid(-neg_pred), axis=1)
    pos_loss = -jnp.mean(pos_score)
    neg_loss = -jnp.mean(neg_score)
    loss = (pos_loss + neg_loss) / 2.0
    return loss

if __name__ == "__main__":
    import jax
    _d = setup_inputs()
    print(jax.jit(kernel)(*tuple(_d.values())))

</pallas_src>

<mosaic_0001>
#map = affine_map<(d0, d1) -> (0)>
module attributes {stable_mosaic.version = 14 : i64} {
  func.func @_sc_pos(%arg0: i32, %arg1: i32, %arg2: memref<4096000xf32, #tpu.memory_space<hbm>>, %arg3: memref<4096000xf32, #tpu.memory_space<hbm>>, %arg4: memref<4096xf32, #tpu.memory_space<hbm>>, %arg5: memref<16000xf32, #tpu.memory_space<vmem>>, %arg6: memref<16xf32, #tpu.memory_space<vmem>>, %arg7: memref<!tpu.dma_semaphore, #tpu.memory_space<semaphore_mem>>) attributes {dimension_semantics = [#tpu.dimension_semantics<core_parallel>, #tpu.dimension_semantics<subcore_parallel>], iteration_bounds = array<i64: 2, 16>, scalar_prefetch = 0 : i64, scratch_operands = 3 : i64, tpu.core_type = #tpu.core_type<sc_vector_subcore>, window_params = [{transform_indices = #map}, {transform_indices = #map}, {transform_indices = #map}]} {
    %mul3A = arith.constant 2 : i32
    %mul3A_0 = arith.muli %arg1, %mul3A : i32
    %add3A = arith.addi %mul3A_0, %arg0 : i32
    %mul3A_1 = arith.constant 128 : i32
    %mul3A_2 = arith.muli %add3A, %mul3A_1 : i32
    %iota3A = tpu.iota {dimensions = array<i32: 0>} : vector<16xi32>
    %scan3A = arith.constant 0 : i32
    %scan3A_3 = arith.constant 0 : i32
    %scan3A_4 = arith.constant 8 : i32
    %scan3A_5 = arith.addi %scan3A_3, %scan3A_4 : i32
    %scan3A_6 = arith.constant 1 : i32
    scf.for %scan3A_8 = %scan3A_3 to %scan3A_5 step %scan3A_6  : i32 {
      %mul3A_9 = arith.constant 16 : i32
      %mul3A_10 = arith.muli %scan3A_8, %mul3A_9 : i32
      %add3A_11 = arith.addi %mul3A_2, %mul3A_10 : i32
      %mul3A_12 = arith.constant 1000 : i32
      %mul3A_13 = arith.muli %add3A_11, %mul3A_12 : i32
      "tpu.region"() ({
        %run_scoped3A = tpu.sem_alloc : memref<!tpu.dma_semaphore, #tpu.memory_space<semaphore_mem>>
        %dma_start3A_23 = tpu.memref_slice %arg2[%mul3A_13] : memref<4096000xf32, #tpu.memory_space<hbm>> -> memref<16000xf32, #tpu.memory_space<hbm>>
        %dma_start3A_24 = tpu.memref_slice %arg2[%mul3A_13] : memref<4096000xf32, #tpu.memory_space<hbm>> -> memref<16000xf32, #tpu.memory_space<hbm>>
        tpu.enqueue_dma source(%dma_start3A_24 : memref<16000xf32, #tpu.memory_space<hbm>>) target(%arg5 : memref<16000xf32, #tpu.memory_space<vmem>>) target_semaphore(%run_scoped3A : memref<!tpu.dma_semaphore, #tpu.memory_space<semaphore_mem>>)
        %dma_wait3A_25 = tpu.memref_slice %arg2[%mul3A_13] : memref<4096000xf32, #tpu.memory_space<hbm>> -> memref<16000xf32, #tpu.memory_space<hbm>>
        %dma_wait3A_26 = tpu.memref_slice %arg2[%mul3A_13] : memref<4096000xf32, #tpu.memory_space<hbm>> -> memref<16000xf32, #tpu.memory_space<hbm>>
        tpu.wait_dma2 semaphore(%run_scoped3A : memref<!tpu.dma_semaphore, #tpu.memory_space<semaphore_mem>>) src(%dma_wait3A_26 : memref<16000xf32, #tpu.memory_space<hbm>>) dst(%arg5 : memref<16000xf32, #tpu.memory_space<vmem>>)
        tpu.yield
      }) : () -> ()
      %broadcast_in_dim3A = arith.constant 0 : i32
      %broadcast_in_dim3A_14 = vector.broadcast %broadcast_in_dim3A : i32 to vector<16xi32>
      %scan3A_15 = arith.constant 0 : i32
      %scan3A_16 = arith.constant 16 : i32
      %scan3A_17 = arith.addi %scan3A_15, %scan3A_16 : i32
      %scan3A_18 = arith.constant 1 : i32
      %scan3A_19 = scf.for %scan3A_23 = %scan3A_15 to %scan3A_17 step %scan3A_18 iter_args(%scan3A_24 = %broadcast_in_dim3A_14) -> (vector<16xi32>)  : i32 {
        %mul3A_25 = arith.constant 1000 : i32
        %mul3A_26 = arith.muli %scan3A_23, %mul3A_25 : i32
        %broadcast_in_dim3A_27 = arith.constant 0xFF800000 : f32
        %broadcast_in_dim3A_28 = vector.broadcast %broadcast_in_dim3A_27 : f32 to vector<16xf32>
        %broadcast_in_dim3A_29 = arith.constant 0 : i32
        %broadcast_in_dim3A_30 = vector.broadcast %broadcast_in_dim3A_29 : i32 to vector<16xi32>
        %scan3A_31 = arith.constant 0 : i32
        %scan3A_32 = arith.constant 63 : i32
        %scan3A_33 = arith.addi %scan3A_31, %scan3A_32 : i32
        %scan3A_34 = arith.constant 9 : i32
        %scan3A_35:2 = scf.for %scan3A_153 = %scan3A_31 to %scan3A_33 step %scan3A_34 iter_args(%scan3A_154 = %broadcast_in_dim3A_28, %scan3A_155 = %broadcast_in_dim3A_30) -> (vector<16xf32>, vector<16xi32>)  : i32 {
          %mul3A_156 = arith.constant 16 : i32
          %mul3A_157 = arith.muli %scan3A_153, %mul3A_156 : i32
          %min3A_158 = arith.constant 984 : i32
          %min3A_159 = arith.minsi %mul3A_157, %min3A_158 : i32
          %add3A_160 = arith.addi %mul3A_26, %min3A_159 : i32
          %get3A = arith.index_cast %add3A_160 : i32 to index
          %get3A_161 = tpu.vector_load %arg5[%get3A] {strides = array<i32>} : memref<16000xf32, #tpu.memory_space<vmem>>, vector<16xf32>,
          %get3A_162 = vector.shape_cast %get3A_161 : vector<16xf32> to vector<16xf32>
          %gt3A = arith.cmpf ogt, %get3A_162, %scan3A_154 : vector<16xf32>
          %select_n3A_163 = arith.select %gt3A, %get3A_162, %scan3A_154 : vector<16xi1>, vector<16xf32>
          %add3A_164 = vector.broadcast %min3A_159 : i32 to vector<16xi32>
          %add3A_165 = arith.addi %iota3A, %add3A_164 : vector<16xi32>
          %select_n3A_166 = arith.select %gt3A, %add3A_165, %scan3A_155 : vector<16xi1>, vector<16xi32>
          %scan3A_167 = arith.constant 1 : i32
          %scan3A_168 = arith.addi %scan3A_153, %scan3A_167 : i32
          %mul3A_169 = arith.constant 16 : i32
          %mul3A_170 = arith.muli %scan3A_168, %mul3A_169 : i32
          %min3A_171 = arith.constant 984 : i32
          %min3A_172 = arith.minsi %mul3A_170, %min3A_171 : i32
          %add3A_173 = arith.addi %mul3A_26, %min3A_172 : i32
          %get3A_174 = arith.index_cast %add3A_173 : i32 to index
          %get3A_175 = tpu.vector_load %arg5[%get3A_174] {strides = array<i32>} : memref<16000xf32, #tpu.memory_space<vmem>>, vector<16xf32>,
          %get3A_176 = vector.shape_cast %get3A_175 : vector<16xf32> to vector<16xf32>
          %gt3A_177 = arith.cmpf ogt, %get3A_176, %select_n3A_163 : vector<16xf32>
          %select_n3A_178 = arith.select %gt3A_177, %get3A_176, %select_n3A_163 : vector<16xi1>, vector<16xf32>
          %add3A_179 = vector.broadcast %min3A_172 : i32 to vector<16xi32>
          %add3A_180 = arith.addi %iota3A, %add3A_179 : vector<16xi32>
          %select_n3A_181 = arith.select %gt3A_177, %add3A_180, %select_n3A_166 : vector<16xi1>, vector<16xi32>
          %scan3A_182 = arith.constant 2 : i32
          %scan3A_183 = arith.addi %scan3A_153, %scan3A_182 : i32
          %mul3A_184 = arith.constant 16 : i32
          %mul3A_185 = arith.muli %scan3A_183, %mul3A_184 : i32
          %min3A_186 = arith.constant 984 : i32
          %min3A_187 = arith.minsi %mul3A_185, %min3A_186 : i32
          %add3A_188 = arith.addi %mul3A_26, %min3A_187 : i32
          %get3A_189 = arith.index_cast %add3A_188 : i32 to index
          %get3A_190 = tpu.vector_load %arg5[%get3A_189] {strides = array<i32>} : memref<16000xf32, #tpu.memory_space<vmem>>, vector<16xf32>,
          %get3A_191 = vector.shape_cast %get3A_190 : vector<16xf32> to vector<16xf32>
          %gt3A_192 = arith.cmpf ogt, %get3A_191, %select_n3A_178 : vector<16xf32>
          %select_n3A_193 = arith.select %gt3A_192, %get3A_191, %select_n3A_178 : vector<16xi1>, vector<16xf32>
          %add3A_194 = vector.broadcast %min3A_187 : i32 to vector<16xi32>
          %add3A_195 = arith.addi %iota3A, %add3A_194 : vector<16xi32>
          %select_n3A_196 = arith.select %gt3A_192, %add3A_195, %select_n3A_181 : vector<16xi1>, vector<16xi32>
          %scan3A_197 = arith.constant 3 : i32
          %scan3A_198 = arith.addi %scan3A_153, %scan3A_197 : i32
          %mul3A_199 = arith.constant 16 : i32
          %mul3A_200 = arith.muli %scan3A_198, %mul3A_199 : i32
          %min3A_201 = arith.constant 984 : i32
          %min3A_202 = arith.minsi %mul3A_200, %min3A_201 : i32
          %add3A_203 = arith.addi %mul3A_26, %min3A_202 : i32
          %get3A_204 = arith.index_cast %add3A_203 : i32 to index
          %get3A_205 = tpu.vector_load %arg5[%get3A_204] {strides = array<i32>} : memref<16000xf32, #tpu.memory_space<vmem>>, vector<16xf32>,
          %get3A_206 = vector.shape_cast %get3A_205 : vector<16xf32> to vector<16xf32>
          %gt3A_207 = arith.cmpf ogt, %get3A_206, %select_n3A_193 : vector<16xf32>
          %select_n3A_208 = arith.select %gt3A_207, %get3A_206, %select_n3A_193 : vector<16xi1>, vector<16xf32>
          %add3A_209 = vector.broadcast %min3A_202 : i32 to vector<16xi32>
          %add3A_210 = arith.addi %iota3A, %add3A_209 : vector<16xi32>
          %select_n3A_211 = arith.select %gt3A_207, %add3A_210, %select_n3A_196 : vector<16xi1>, vector<16xi32>
          %scan3A_212 = arith.constant 4 : i32
          %scan3A_213 = arith.addi %scan3A_153, %scan3A_212 : i32
          %mul3A_214 = arith.constant 16 : i32
          %mul3A_215 = arith.muli %scan3A_213, %mul3A_214 : i32
          %min3A_216 = arith.constant 984 : i32
          %min3A_217 = arith.minsi %mul3A_215, %min3A_216 : i32
          %add3A_218 = arith.addi %mul3A_26, %min3A_217 : i32
          %get3A_219 = arith.index_cast %add3A_218 : i32 to index
          %get3A_220 = tpu.vector_load %arg5[%get3A_219] {strides = array<i32>} : memref<16000xf32, #tpu.memory_space<vmem>>, vector<16xf32>,
          %get3A_221 = vector.shape_cast %get3A_220 : vector<16xf32> to vector<16xf32>
          %gt3A_222 = arith.cmpf ogt, %get3A_221, %select_n3A_208 : vector<16xf32>
          %select_n3A_223 = arith.select %gt3A_222, %get3A_221, %select_n3A_208 : vector<16xi1>, vector<16xf32>
          %add3A_224 = vector.broadcast %min3A_217 : i32 to vector<16xi32>
          %add3A_225 = arith.addi %iota3A, %add3A_224 : vector<16xi32>
          %select_n3A_226 = arith.select %gt3A_222, %add3A_225, %select_n3A_211 : vector<16xi1>, vector<16xi32>
          %scan3A_227 = arith.constant 5 : i32
          %scan3A_228 = arith.addi %scan3A_153, %scan3A_227 : i32
          %mul3A_229 = arith.constant 16 : i32
          %mul3A_230 = arith.muli %scan3A_228, %mul3A_229 : i32
          %min3A_231 = arith.constant 984 : i32
          %min3A_232 = arith.minsi %mul3A_230, %min3A_231 : i32
          %add3A_233 = arith.addi %mul3A_26, %min3A_232 : i32
          %get3A_234 = arith.index_cast %add3A_233 : i32 to index
          %get3A_235 = tpu.vector_load %arg5[%get3A_234] {strides = array<i32>} : memref<16000xf32, #tpu.memory_space<vmem>>, vector<16xf32>,
          %get3A_236 = vector.shape_cast %get3A_235 : vector<16xf32> to vector<16xf32>
          %gt3A_237 = arith.cmpf ogt, %get3A_236, %select_n3A_223 : vector<16xf32>
          %select_n3A_238 = arith.select %gt3A_237, %get3A_236, %select_n3A_223 : vector<16xi1>, vector<16xf32>
          %add3A_239 = vector.broadcast %min3A_232 : i32 to vector<16xi32>
          %add3A_240 = arith.addi %iota3A, %add3A_239 : vector<16xi32>
          %select_n3A_241 = arith.select %gt3A_237, %add3A_240, %select_n3A_226 : vector<16xi1>, vector<16xi32>
          %scan3A_242 = arith.constant 6 : i32
          %scan3A_243 = arith.addi %scan3A_153, %scan3A_242 : i32
          %mul3A_244 = arith.constant 16 : i32
          %mul3A_245 = arith.muli %scan3A_243, %mul3A_244 : i32
          %min3A_246 = arith.constant 984 : i32
          %min3A_247 = arith.minsi %mul3A_245, %min3A_246 : i32
          %add3A_248 = arith.addi %mul3A_26, %min3A_247 : i32
          %get3A_249 = arith.index_cast %add3A_248 : i32 to index
          %get3A_250 = tpu.vector_load %arg5[%get3A_249] {strides = array<i32>} : memref<16000xf32, #tpu.memory_space<vmem>>, vector<16xf32>,
          %get3A_251 = vector.shape_cast %get3A_250 : vector<16xf32> to vector<16xf32>
          %gt3A_252 = arith.cmpf ogt, %get3A_251, %select_n3A_238 : vector<16xf32>
          %select_n3A_253 = arith.select %gt3A_252, %get3A_251, %select_n3A_238 : vector<16xi1>, vector<16xf32>
          %add3A_254 = vector.broadcast %min3A_247 : i32 to vector<16xi32>
          %add3A_255 = arith.addi %iota3A, %add3A_254 : vector<16xi32>
          %select_n3A_256 = arith.select %gt3A_252, %add3A_255, %select_n3A_241 : vector<16xi1>, vector<16xi32>
          %scan3A_257 = arith.constant 7 : i32
          %scan3A_258 = arith.addi %scan3A_153, %scan3A_257 : i32
          %mul3A_259 = arith.constant 16 : i32
          %mul3A_260 = arith.muli %scan3A_258, %mul3A_259 : i32
          %min3A_261 = arith.constant 984 : i32
          %min3A_262 = arith.minsi %mul3A_260, %min3A_261 : i32
          %add3A_263 = arith.addi %mul3A_26, %min3A_262 : i32
          %get3A_264 = arith.index_cast %add3A_263 : i32 to index
          %get3A_265 = tpu.vector_load %arg5[%get3A_264] {strides = array<i32>} : memref<16000xf32, #tpu.memory_space<vmem>>, vector<16xf32>,
          %get3A_266 = vector.shape_cast %get3A_265 : vector<16xf32> to vector<16xf32>
          %gt3A_267 = arith.cmpf ogt, %get3A_266, %select_n3A_253 : vector<16xf32>
          %select_n3A_268 = arith.select %gt3A_267, %get3A_266, %select_n3A_253 : vector<16xi1>, vector<16xf32>
          %add3A_269 = vector.broadcast %min3A_262 : i32 to vector<16xi32>
          %add3A_270 = arith.addi %iota3A, %add3A_269 : vector<16xi32>
          %select_n3A_271 = arith.select %gt3A_267, %add3A_270, %select_n3A_256 : vector<16xi1>, vector<16xi32>
          %scan3A_272 = arith.constant 8 : i32
          %scan3A_273 = arith.addi %scan3A_153, %scan3A_272 : i32
          %mul3A_274 = arith.constant 16 : i32
          %mul3A_275 = arith.muli %scan3A_273, %mul3A_274 : i32
          %min3A_276 = arith.constant 984 : i32
          %min3A_277 = arith.minsi %mul3A_275, %min3A_276 : i32
          %add3A_278 = arith.addi %mul3A_26, %min3A_277 : i32
          %get3A_279 = arith.index_cast %add3A_278 : i32 to index
          %get3A_280 = tpu.vector_load %arg5[%get3A_279] {strides = array<i32>} : memref<16000xf32, #tpu.memory_space<vmem>>, vector<16xf32>,
          %get3A_281 = vector.shape_cast %get3A_280 : vector<16xf32> to vector<16xf32>
          %gt3A_282 = arith.cmpf ogt, %get3A_281, %select_n3A_268 : vector<16xf32>
          %select_n3A_283 = arith.select %gt3A_282, %get3A_281, %select_n3A_268 : vector<16xi1>, vector<16xf32>
          %add3A_284 = vector.broadcast %min3A_277 : i32 to vector<16xi32>
          %add3A_285 = arith.addi %iota3A, %add3A_284 : vector<16xi32>
          %select_n3A_286 = arith.select %gt3A_282, %add3A_285, %select_n3A_271 : vector<16xi1>, vector<16xi32>
          scf.yield %select_n3A_283, %select_n3A_286 : vector<16xf32>, vector<16xi32>
        }
        %scan3A_36 = arith.constant 63 : i32
        %xor3A = arith.constant 1 : i32
        %xor3A_37 = vector.broadcast %xor3A : i32 to vector<16xi32>
        %xor3A_38 = arith.xori %iota3A, %xor3A_37 : vector<16xi32>
        %lt3A = arith.constant 0 : i32
        %lt3A_39 = vector.broadcast %lt3A : i32 to vector<16xi32>
        %lt3A_40 = arith.cmpi slt, %xor3A_38, %lt3A_39 : vector<16xi32>
        %add3A_41 = arith.constant 16 : i32
        %add3A_42 = vector.broadcast %add3A_41 : i32 to vector<16xi32>
        %add3A_43 = arith.addi %xor3A_38, %add3A_42 : vector<16xi32>
        %select_n3A = arith.select %lt3A_40, %add3A_43, %xor3A_38 : vector<16xi1>, vector<16xi32>
        %broadcast_in_dim3A_44 = vector.shape_cast %select_n3A : vector<16xi32> to vector<16x1xi32>
        %gather3A = vector.shape_cast %broadcast_in_dim3A_44 : vector<16x1xi32> to vector<16xi32>
        %gather3A_45 = tpu.dynamic_gather %scan3A_35#0[%gather3A] in [0] : vector<16xf32>, vector<16xi32> -> vector<16xf32>
        %max3A = arith.maximumf %scan3A_35#0, %gather3A_45 : vector<16xf32>
        %xor3A_46 = arith.constant 2 : i32
        %xor3A_47 = vector.broadcast %xor3A_46 : i32 to vector<16xi32>
        %xor3A_48 = arith.xori %iota3A, %xor3A_47 : vector<16xi32>
        %lt3A_49 = arith.constant 0 : i32
        %lt3A_50 = vector.broadcast %lt3A_49 : i32 to vector<16xi32>
        %lt3A_51 = arith.cmpi slt, %xor3A_48, %lt3A_50 : vector<16xi32>
        %add3A_52 = arith.constant 16 : i32
        %add3A_53 = vector.broadcast %add3A_52 : i32 to vector<16xi32>
        %add3A_54 = arith.addi %xor3A_48, %add3A_53 : vector<16xi32>
        %select_n3A_55 = arith.select %lt3A_51, %add3A_54, %xor3A_48 : vector<16xi1>, vector<16xi32>
        %broadcast_in_dim3A_56 = vector.shape_cast %select_n3A_55 : vector<16xi32> to vector<16x1xi32>
        %gather3A_57 = vector.shape_cast %broadcast_in_dim3A_56 : vector<16x1xi32> to vector<16xi32>
        %gather3A_58 = tpu.dynamic_gather %max3A[%gather3A_57] in [0] : vector<16xf32>, vector<16xi32> -> vector<16xf32>
        %max3A_59 = arith.maximumf %max3A, %gather3A_58 : vector<16xf32>
        %xor3A_60 = arith.constant 4 : i32
        %xor3A_61 = vector.broadcast %xor3A_60 : i32 to vector<16xi32>
        %xor3A_62 = arith.xori %iota3A, %xor3A_61 : vector<16xi32>
        %lt3A_63 = arith.constant 0 : i32
        %lt3A_64 = vector.broadcast %lt3A_63 : i32 to vector<16xi32>
        %lt3A_65 = arith.cmpi slt, %xor3A_62, %lt3A_64 : vector<16xi32>
        %add3A_66 = arith.constant 16 : i32
        %add3A_67 = vector.broadcast %add3A_66 : i32 to vector<16xi32>
        %add3A_68 = arith.addi %xor3A_62, %add3A_67 : vector<16xi32>
        %select_n3A_69 = arith.select %lt3A_65, %add3A_68, %xor3A_62 : vector<16xi1>, vector<16xi32>
        %broadcast_in_dim3A_70 = vector.shape_cast %select_n3A_69 : vector<16xi32> to vector<16x1xi32>
        %gather3A_71 = vector.shape_cast %broadcast_in_dim3A_70 : vector<16x1xi32> to vector<16xi32>
        %gather3A_72 = tpu.dynamic_gather %max3A_59[%gather3A_71] in [0] : vector<16xf32>, vector<16xi32> -> vector<16xf32>
        %max3A_73 = arith.maximumf %max3A_59, %gather3A_72 : vector<16xf32>
        %xor3A_74 = arith.constant 8 : i32
        %xor3A_75 = vector.broadcast %xor3A_74 : i32 to vector<16xi32>
        %xor3A_76 = arith.xori %iota3A, %xor3A_75 : vector<16xi32>
        %lt3A_77 = arith.constant 0 : i32
        %lt3A_78 = vector.broadcast %lt3A_77 : i32 to vector<16xi32>
        %lt3A_79 = arith.cmpi slt, %xor3A_76, %lt3A_78 : vector<16xi32>
        %add3A_80 = arith.constant 16 : i32
        %add3A_81 = vector.broadcast %add3A_80 : i32 to vector<16xi32>
        %add3A_82 = arith.addi %xor3A_76, %add3A_81 : vector<16xi32>
        %select_n3A_83 = arith.select %lt3A_79, %add3A_82, %xor3A_76 : vector<16xi1>, vector<16xi32>
        %broadcast_in_dim3A_84 = vector.shape_cast %select_n3A_83 : vector<16xi32> to vector<16x1xi32>
        %gather3A_85 = vector.shape_cast %broadcast_in_dim3A_84 : vector<16x1xi32> to vector<16xi32>
        %gather3A_86 = tpu.dynamic_gather %max3A_73[%gather3A_85] in [0] : vector<16xf32>, vector<16xi32> -> vector<16xf32>
        %max3A_87 = arith.maximumf %max3A_73, %gather3A_86 : vector<16xf32>
        %eq3A = arith.cmpf oeq, %scan3A_35#0, %max3A_87 : vector<16xf32>
        %jit3A = arith.constant 1073741824 : i32
        %broadcast_in_dim3A_88 = vector.broadcast %jit3A : i32 to vector<16xi32>
        %select_n3A_89 = arith.select %eq3A, %scan3A_35#1, %broadcast_in_dim3A_88 : vector<16xi1>, vector<16xi32>
        %xor3A_90 = arith.constant 1 : i32
        %xor3A_91 = vector.broadcast %xor3A_90 : i32 to vector<16xi32>
        %xor3A_92 = arith.xori %iota3A, %xor3A_91 : vector<16xi32>
        %lt3A_93 = arith.constant 0 : i32
        %lt3A_94 = vector.broadcast %lt3A_93 : i32 to vector<16xi32>
        %lt3A_95 = arith.cmpi slt, %xor3A_92, %lt3A_94 : vector<16xi32>
        %add3A_96 = arith.constant 16 : i32
        %add3A_97 = vector.broadcast %add3A_96 : i32 to vector<16xi32>
        %add3A_98 = arith.addi %xor3A_92, %add3A_97 : vector<16xi32>
        %select_n3A_99 = arith.select %lt3A_95, %add3A_98, %xor3A_92 : vector<16xi1>, vector<16xi32>
        %broadcast_in_dim3A_100 = vector.shape_cast %select_n3A_99 : vector<16xi32> to vector<16x1xi32>
        %gather3A_101 = vector.shape_cast %broadcast_in_dim3A_100 : vector<16x1xi32> to vector<16xi32>
        %gather3A_102 = tpu.dynamic_gather %select_n3A_89[%gather3A_101] in [0] : vector<16xi32>, vector<16xi32> -> vector<16xi32>
        %min3A = arith.minsi %select_n3A_89, %gather3A_102 : vector<16xi32>
        %xor3A_103 = arith.constant 2 : i32
        %xor3A_104 = vector.broadcast %xor3A_103 : i32 to vector<16xi32>
        %xor3A_105 = arith.xori %iota3A, %xor3A_104 : vector<16xi32>
        %lt3A_106 = arith.constant 0 : i32
        %lt3A_107 = vector.broadcast %lt3A_106 : i32 to vector<16xi32>
        %lt3A_108 = arith.cmpi slt, %xor3A_105, %lt3A_107 : vector<16xi32>
        %add3A_109 = arith.constant 16 : i32
        %add3A_110 = vector.broadcast %add3A_109 : i32 to vector<16xi32>
        %add3A_111 = arith.addi %xor3A_105, %add3A_110 : vector<16xi32>
        %select_n3A_112 = arith.select %lt3A_108, %add3A_111, %xor3A_105 : vector<16xi1>, vector<16xi32>
        %broadcast_in_dim3A_113 = vector.shape_cast %select_n3A_112 : vector<16xi32> to vector<16x1xi32>
        %gather3A_114 = vector.shape_cast %broadcast_in_dim3A_113 : vector<16x1xi32> to vector<16xi32>
        %gather3A_115 = tpu.dynamic_gather %min3A[%gather3A_114] in [0] : vector<16xi32>, vector<16xi32> -> vector<16xi32>
        %min3A_116 = arith.minsi %min3A, %gather3A_115 : vector<16xi32>
        %xor3A_117 = arith.constant 4 : i32
        %xor3A_118 = vector.broadcast %xor3A_117 : i32 to vector<16xi32>
        %xor3A_119 = arith.xori %iota3A, %xor3A_118 : vector<16xi32>
        %lt3A_120 = arith.constant 0 : i32
        %lt3A_121 = vector.broadcast %lt3A_120 : i32 to vector<16xi32>
        %lt3A_122 = arith.cmpi slt, %xor3A_119, %lt3A_121 : vector<16xi32>
        %add3A_123 = arith.constant 16 : i32
        %add3A_124 = vector.broadcast %add3A_123 : i32 to vector<16xi32>
        %add3A_125 = arith.addi %xor3A_119, %add3A_124 : vector<16xi32>
        %select_n3A_126 = arith.select %lt3A_122, %add3A_125, %xor3A_119 : vector<16xi1>, vector<16xi32>
        %broadcast_in_dim3A_127 = vector.shape_cast %select_n3A_126 : vector<16xi32> to vector<16x1xi32>
        %gather3A_128 = vector.shape_cast %broadcast_in_dim3A_127 : vector<16x1xi32> to vector<16xi32>
        %gather3A_129 = tpu.dynamic_gather %min3A_116[%gather3A_128] in [0] : vector<16xi32>, vector<16xi32> -> vector<16xi32>
        %min3A_130 = arith.minsi %min3A_116, %gather3A_129 : vector<16xi32>
        %xor3A_131 = arith.constant 8 : i32
        %xor3A_132 = vector.broadcast %xor3A_131 : i32 to vector<16xi32>
        %xor3A_133 = arith.xori %iota3A, %xor3A_132 : vector<16xi32>
        %lt3A_134 = arith.constant 0 : i32
        %lt3A_135 = vector.broadcast %lt3A_134 : i32 to vector<16xi32>
        %lt3A_136 = arith.cmpi slt, %xor3A_133, %lt3A_135 : vector<16xi32>
        %add3A_137 = arith.constant 16 : i32
        %add3A_138 = vector.broadcast %add3A_137 : i32 to vector<16xi32>
        %add3A_139 = arith.addi %xor3A_133, %add3A_138 : vector<16xi32>
        %select_n3A_140 = arith.select %lt3A_136, %add3A_139, %xor3A_133 : vector<16xi1>, vector<16xi32>
        %broadcast_in_dim3A_141 = vector.shape_cast %select_n3A_140 : vector<16xi32> to vector<16x1xi32>
        %gather3A_142 = vector.shape_cast %broadcast_in_dim3A_141 : vector<16x1xi32> to vector<16xi32>
        %gather3A_143 = tpu.dynamic_gather %min3A_130[%gather3A_142] in [0] : vector<16xi32>, vector<16xi32> -> vector<16xi32>
        %min3A_144 = arith.minsi %min3A_130, %gather3A_143 : vector<16xi32>
        %eq3A_145 = vector.broadcast %scan3A_23 : i32 to vector<16xi32>
        %eq3A_146 = arith.cmpi eq, %iota3A, %eq3A_145 : vector<16xi32>
        %add3A_147 = arith.addi %add3A_11, %scan3A_23 : i32
        %mul3A_148 = arith.constant 1000 : i32
        %mul3A_149 = arith.muli %add3A_147, %mul3A_148 : i32
        %add3A_150 = vector.broadcast %mul3A_149 : i32 to vector<16xi32>
        %add3A_151 = arith.addi %add3A_150, %min3A_144 : vector<16xi32>
        %select_n3A_152 = arith.select %eq3A_146, %add3A_151, %scan3A_24 : vector<16xi1>, vector<16xi32>
        scf.yield %select_n3A_152 : vector<16xi32>
      }
      %scan3A_20 = arith.constant 16 : i32
      %dma_start3A = arith.constant 0 : i32
      %dma_start3A_21 = tpu.memref_slice %arg3[%dma_start3A] : memref<4096000xf32, #tpu.memory_space<hbm>> -> memref<4096000xf32, #tpu.memory_space<hbm>>
      tpu.enqueue_indirect_dma source(%dma_start3A_21 : memref<4096000xf32, #tpu.memory_space<hbm>>) target(%arg6 : memref<16xf32, #tpu.memory_space<vmem>>) offsets(%scan3A_19 : vector<16xi32>) semaphore(%arg7 : memref<!tpu.dma_semaphore, #tpu.memory_space<semaphore_mem>>)
      %dma_wait3A = arith.constant 0 : i32
      %dma_wait3A_22 = tpu.memref_slice %arg3[%dma_wait3A] : memref<4096000xf32, #tpu.memory_space<hbm>> -> memref<4096000xf32, #tpu.memory_space<hbm>>
      tpu.wait_indirect_dma semaphore(%arg7 : memref<!tpu.dma_semaphore, #tpu.memory_space<semaphore_mem>>) src(%dma_wait3A_22 : memref<4096000xf32, #tpu.memory_space<hbm>>) dst(%arg6 : memref<16xf32, #tpu.memory_space<vmem>>)
      "tpu.region"() ({
        %run_scoped3A = tpu.sem_alloc : memref<!tpu.dma_semaphore, #tpu.memory_space<semaphore_mem>>
        %dma_start3A_23 = tpu.memref_slice %arg4[%add3A_11] : memref<4096xf32, #tpu.memory_space<hbm>> -> memref<16xf32, #tpu.memory_space<hbm>>
        %dma_start3A_24 = tpu.memref_slice %arg4[%add3A_11] : memref<4096xf32, #tpu.memory_space<hbm>> -> memref<16xf32, #tpu.memory_space<hbm>>
        tpu.enqueue_dma source(%arg6 : memref<16xf32, #tpu.memory_space<vmem>>) target(%dma_start3A_24 : memref<16xf32, #tpu.memory_space<hbm>>) target_semaphore(%run_scoped3A : memref<!tpu.dma_semaphore, #tpu.memory_space<semaphore_mem>>)
        %dma_wait3A_25 = tpu.memref_slice %arg4[%add3A_11] : memref<4096xf32, #tpu.memory_space<hbm>> -> memref<16xf32, #tpu.memory_space<hbm>>
        %dma_wait3A_26 = tpu.memref_slice %arg4[%add3A_11] : memref<4096xf32, #tpu.memory_space<hbm>> -> memref<16xf32, #tpu.memory_space<hbm>>
        tpu.wait_dma2 semaphore(%run_scoped3A : memref<!tpu.dma_semaphore, #tpu.memory_space<semaphore_mem>>) src(%arg6 : memref<16xf32, #tpu.memory_space<vmem>>) dst(%dma_wait3A_26 : memref<16xf32, #tpu.memory_space<hbm>>)
        tpu.yield
      }) : () -> ()
    }
    %scan3A_7 = arith.constant 8 : i32
    return
  }
}

module attributes {stable_mosaic.version = 14 : i64} {
  func.func @_dense_block(%arg0: i32, %arg1: memref<1024x1000xf32, #tpu.memory_space<vmem>>, %arg2: memref<8x1024xf32, #tpu.memory_space<vmem>>) attributes {dimension_semantics = [#tpu.dimension_semantics<arbitrary>], iteration_bounds = array<i64: 4>, scalar_prefetch = 0 : i64, scratch_operands = 0 : i64, tpu.core_type = #tpu.core_type<tc>, window_params = [{transform_indices = @transform_0, window_bounds = array<i64: 1024, 1000>}, {transform_indices = @transform_1, window_bounds = array<i64: 8, 1024>}]} {
    %get3A = arith.constant 0 : index
    %get3A_0 = arith.constant 0 : index
    %get3A_1 = vector.load %arg1[%get3A, %get3A_0] : memref<1024x1000xf32, #tpu.memory_space<vmem>>, vector<1024x1000xf32>
    %broadcast_in_dim3A = arith.constant 1.000000e+00 : f32
    %broadcast_in_dim3A_2 = vector.broadcast %broadcast_in_dim3A : f32 to vector<1000x128xf32>
    %mul3A = arith.constant 1.44269502 : f32
    %mul3A_3 = vector.broadcast %mul3A : f32 to vector<1024x1000xf32>
    %mul3A_4 = arith.mulf %get3A_1, %mul3A_3 : vector<1024x1000xf32>
    %reduce_max3A = arith.constant dense<0xFF800000> : vector<1024xf32>
    %reduce_max3A_5 = vector.multi_reduction <maximumf>, %mul3A_4, %reduce_max3A [1] : vector<1024x1000xf32> to vector<1024xf32>
    %broadcast_in_dim3A_6 = vector.shape_cast %reduce_max3A_5 : vector<1024xf32> to vector<1024x1xf32>
    %sub3A = vector.broadcast %broadcast_in_dim3A_6 : vector<1024x1xf32> to vector<1024x1000xf32>
    %sub3A_7 = arith.subf %mul3A_4, %sub3A : vector<1024x1000xf32>
    %exp23A = math.exp2 %sub3A_7 : vector<1024x1000xf32>
    %neg3A = arith.constant 0.000000e+00 : f32
    %neg3A_8 = vector.broadcast %neg3A : f32 to vector<1024x1xf32>
    %neg3A_9 = arith.subf %neg3A_8, %broadcast_in_dim3A_6 : vector<1024x1xf32>
    %exp23A_10 = math.exp2 %neg3A_9 : vector<1024x1xf32>
    %add3A = vector.broadcast %exp23A_10 : vector<1024x1xf32> to vector<1024x1000xf32>
    %add3A_11 = arith.addf %add3A, %exp23A : vector<1024x1000xf32>
    %log3A = math.log %add3A_11 : vector<1024x1000xf32>
    %log3A_12 = arith.constant 2.000000e+00 : f32
    %log3A_13 = math.log %log3A_12 : f32
    %div3A = vector.broadcast %log3A_13 : f32 to vector<1024x1000xf32>
    %div3A_14 = arith.divf %log3A, %div3A : vector<1024x1000xf32>
    %squeeze3A = vector.shape_cast %broadcast_in_dim3A_6 : vector<1024x1xf32> to vector<1024xf32>
    %swap3A = arith.constant 0 : index
    %swap3A_15 = arith.constant 0 : index
    %swap3A_16 = vector.load %arg2[%swap3A, %swap3A_15] : memref<8x1024xf32, #tpu.memory_space<vmem>>, vector<1x1024xf32>
    %swap3A_17 = vector.shape_cast %swap3A_16 : vector<1x1024xf32> to vector<1024xf32>
    %swap3A_18 = vector.shape_cast %squeeze3A : vector<1024xf32> to vector<1x1024xf32>
    tpu.vector_store %arg2[%swap3A, %swap3A_15], %swap3A_18 {strides = array<i32>} : memref<8x1024xf32, #tpu.memory_space<vmem>>, vector<1x1024xf32>,
    %dot_general3A = arith.constant dense<0.000000e+00> : vector<1024x128xf32>
    %dot_general3A_19 = tpu.matmul %exp23A, %broadcast_in_dim3A_2, %dot_general3A {dimension_numbers = #tpu.dot_dimension_numbers<[1], [0], [0], [1], [0, 0, 1, 1], [], []>, transpose_lhs_hint = false} : vector<1024x1000xf32>, vector<1000x128xf32>, vector<1024x128xf32> -> vector<1024x128xf32>
    %slice3A = vector.extract_strided_slice %dot_general3A_19 {offsets = [0, 0], sizes = [1024, 1], strides = [1, 1]} : vector<1024x128xf32> to vector<1024x1xf32>
    %squeeze3A_20 = vector.shape_cast %slice3A : vector<1024x1xf32> to vector<1024xf32>
    %swap3A_21 = arith.constant 1 : index
    %swap3A_22 = arith.constant 0 : index
    %swap3A_23 = vector.load %arg2[%swap3A_21, %swap3A_22] : memref<8x1024xf32, #tpu.memory_space<vmem>>, vector<1x1024xf32>
    %swap3A_24 = vector.shape_cast %swap3A_23 : vector<1x1024xf32> to vector<1024xf32>
    %swap3A_25 = vector.shape_cast %squeeze3A_20 : vector<1024xf32> to vector<1x1024xf32>
    tpu.vector_store %arg2[%swap3A_21, %swap3A_22], %swap3A_25 {strides = array<i32>} : memref<8x1024xf32, #tpu.memory_space<vmem>>, vector<1x1024xf32>,
    %mul3A_26 = arith.mulf %exp23A, %div3A_14 : vector<1024x1000xf32>
    %dot_general3A_27 = arith.constant dense<0.000000e+00> : vector<1024x128xf32>
    %dot_general3A_28 = tpu.matmul %mul3A_26, %broadcast_in_dim3A_2, %dot_general3A_27 {dimension_numbers = #tpu.dot_dimension_numbers<[1], [0], [0], [1], [0, 0, 1, 1], [], []>, transpose_lhs_hint = false} : vector<1024x1000xf32>, vector<1000x128xf32>, vector<1024x128xf32> -> vector<1024x128xf32>
    %slice3A_29 = vector.extract_strided_slice %dot_general3A_28 {offsets = [0, 0], sizes = [1024, 1], strides = [1, 1]} : vector<1024x128xf32> to vector<1024x1xf32>
    %squeeze3A_30 = vector.shape_cast %slice3A_29 : vector<1024x1xf32> to vector<1024xf32>
    %swap3A_31 = arith.constant 2 : index
    %swap3A_32 = arith.constant 0 : index
    %swap3A_33 = vector.load %arg2[%swap3A_31, %swap3A_32] : memref<8x1024xf32, #tpu.memory_space<vmem>>, vector<1x1024xf32>
    %swap3A_34 = vector.shape_cast %swap3A_33 : vector<1x1024xf32> to vector<1024xf32>
    %swap3A_35 = vector.shape_cast %squeeze3A_30 : vector<1024xf32> to vector<1x1024xf32>
    tpu.vector_store %arg2[%swap3A_31, %swap3A_32], %swap3A_35 {strides = array<i32>} : memref<8x1024xf32, #tpu.memory_space<vmem>>, vector<1x1024xf32>,
    return
  }
  func.func @transform_0(%arg0: i32) -> (i32, i32) {
    %c0_i32 = arith.constant 0 : i32
    %c0_i32_0 = arith.constant 0 : i32
    return %arg0, %c0_i32 : i32, i32
  }
  func.func @transform_1(%arg0: i32) -> (i32, i32) {
    %c0_i32 = arith.constant 0 : i32
    %c0_i32_0 = arith.constant 0 : i32
    return %c0_i32, %arg0 : i32, i32
  }
}

module attributes {stable_mosaic.version = 14 : i64} {
  func.func @_combine(%arg0: memref<8x4096xf32, #tpu.memory_space<vmem>>, %arg1: memref<4096xf32, #tpu.memory_space<vmem>>, %arg2: memref<1xf32, #tpu.memory_space<smem>>) attributes {dimension_semantics = [], scalar_prefetch = 0 : i64, scratch_operands = 0 : i64, tpu.core_type = #tpu.core_type<tc>} {
    %get3A = arith.constant 0 : index
    %get3A_0 = arith.constant 0 : index
    %get3A_1 = vector.load %arg0[%get3A, %get3A_0] : memref<8x4096xf32, #tpu.memory_space<vmem>>, vector<1x4096xf32>
    %get3A_2 = vector.shape_cast %get3A_1 : vector<1x4096xf32> to vector<4096xf32>
    %get3A_3 = arith.constant 1 : index
    %get3A_4 = arith.constant 0 : index
    %get3A_5 = vector.load %arg0[%get3A_3, %get3A_4] : memref<8x4096xf32, #tpu.memory_space<vmem>>, vector<1x4096xf32>
    %get3A_6 = vector.shape_cast %get3A_5 : vector<1x4096xf32> to vector<4096xf32>
    %get3A_7 = arith.constant 2 : index
    %get3A_8 = arith.constant 0 : index
    %get3A_9 = vector.load %arg0[%get3A_7, %get3A_8] : memref<8x4096xf32, #tpu.memory_space<vmem>>, vector<1x4096xf32>
    %get3A_10 = vector.shape_cast %get3A_9 : vector<1x4096xf32> to vector<4096xf32>
    %get3A_11 = arith.constant 0 : index
    %get3A_12 = vector.load %arg1[%get3A_11] : memref<4096xf32, #tpu.memory_space<vmem>>, vector<4096xf32>
    %neg3A = arith.constant 0.000000e+00 : f32
    %neg3A_13 = vector.broadcast %neg3A : f32 to vector<4096xf32>
    %neg3A_14 = arith.subf %neg3A_13, %get3A_12 : vector<4096xf32>
    %max3A = arith.constant 0.000000e+00 : f32
    %max3A_15 = vector.broadcast %max3A : f32 to vector<4096xf32>
    %max3A_16 = arith.maximumf %neg3A_14, %max3A_15 : vector<4096xf32>
    %abs3A = math.absf %neg3A_14 : vector<4096xf32>
    %neg3A_17 = arith.constant 0.000000e+00 : f32
    %neg3A_18 = vector.broadcast %neg3A_17 : f32 to vector<4096xf32>
    %neg3A_19 = arith.subf %neg3A_18, %abs3A : vector<4096xf32>
    %exp3A = math.exp %neg3A_19 : vector<4096xf32>
    %log1p3A = math.log1p %exp3A : vector<4096xf32>
    %add3A = arith.addf %max3A_16, %log1p3A : vector<4096xf32>
    %neg3A_20 = arith.constant 0.000000e+00 : f32
    %neg3A_21 = vector.broadcast %neg3A_20 : f32 to vector<4096xf32>
    %neg3A_22 = arith.subf %neg3A_21, %add3A : vector<4096xf32>
    %mul3A = arith.constant 1.44269502 : f32
    %mul3A_23 = vector.broadcast %mul3A : f32 to vector<4096xf32>
    %mul3A_24 = arith.mulf %get3A_12, %mul3A_23 : vector<4096xf32>
    %sub3A = arith.subf %mul3A_24, %get3A_2 : vector<4096xf32>
    %exp23A = math.exp2 %sub3A : vector<4096xf32>
    %sub3A_25 = arith.subf %get3A_6, %exp23A : vector<4096xf32>
    %mul3A_26 = arith.mulf %get3A_2, %get3A_6 : vector<4096xf32>
    %add3A_27 = arith.addf %mul3A_26, %get3A_10 : vector<4096xf32>
    %mul3A_28 = arith.constant 0.693147182 : f32
    %mul3A_29 = vector.broadcast %mul3A_28 : f32 to vector<4096xf32>
    %mul3A_30 = arith.mulf %mul3A_29, %add3A_27 : vector<4096xf32>
    %max3A_31 = arith.constant 0.000000e+00 : f32
    %max3A_32 = vector.broadcast %max3A_31 : f32 to vector<4096xf32>
    %max3A_33 = arith.maximumf %get3A_12, %max3A_32 : vector<4096xf32>
    %abs3A_34 = math.absf %get3A_12 : vector<4096xf32>
    %neg3A_35 = arith.constant 0.000000e+00 : f32
    %neg3A_36 = vector.broadcast %neg3A_35 : f32 to vector<4096xf32>
    %neg3A_37 = arith.subf %neg3A_36, %abs3A_34 : vector<4096xf32>
    %exp3A_38 = math.exp %neg3A_37 : vector<4096xf32>
    %log1p3A_39 = math.log1p %exp3A_38 : vector<4096xf32>
    %add3A_40 = arith.addf %max3A_33, %log1p3A_39 : vector<4096xf32>
    %mul3A_41 = arith.mulf %exp23A, %add3A_40 : vector<4096xf32>
    %sub3A_42 = arith.subf %mul3A_30, %mul3A_41 : vector<4096xf32>
    %neg3A_43 = arith.constant 0.000000e+00 : f32
    %neg3A_44 = vector.broadcast %neg3A_43 : f32 to vector<4096xf32>
    %neg3A_45 = arith.subf %neg3A_44, %sub3A_42 : vector<4096xf32>
    %div3A = arith.divf %neg3A_45, %sub3A_25 : vector<4096xf32>
    %reduce_sum3A = vector.shape_cast %neg3A_22 : vector<4096xf32> to vector<1x4096xf32>
    %reduce_sum3A_46 = arith.constant dense<0.000000e+00> : vector<1xf32>
    %reduce_sum3A_47 = vector.multi_reduction <add>, %reduce_sum3A, %reduce_sum3A_46 [1] : vector<1x4096xf32> to vector<1xf32>
    %reduce_sum3A_48 = vector.shape_cast %reduce_sum3A_47 : vector<1xf32> to vector<1x1xf32>
    %reduce_sum3A_49 = vector.extract %reduce_sum3A_48[0, 0] : f32 from vector<1x1xf32>
    %reduce_sum3A_50 = vector.shape_cast %div3A : vector<4096xf32> to vector<1x4096xf32>
    %reduce_sum3A_51 = arith.constant dense<0.000000e+00> : vector<1xf32>
    %reduce_sum3A_52 = vector.multi_reduction <add>, %reduce_sum3A_50, %reduce_sum3A_51 [1] : vector<1x4096xf32> to vector<1xf32>
    %reduce_sum3A_53 = vector.shape_cast %reduce_sum3A_52 : vector<1xf32> to vector<1x1xf32>
    %reduce_sum3A_54 = vector.extract %reduce_sum3A_53[0, 0] : f32 from vector<1x1xf32>
    %add3A_55 = arith.addf %reduce_sum3A_49, %reduce_sum3A_54 : f32
    %neg3A_56 = arith.constant 0.000000e+00 : f32
    %neg3A_57 = arith.subf %neg3A_56, %add3A_55 : f32
    %div3A_58 = arith.constant 8.192000e+03 : f32
    %div3A_59 = arith.divf %neg3A_57, %div3A_58 : f32
    %swap3A = arith.constant 0 : index
    %swap3A_60 = memref.load %arg2[%swap3A] : memref<1xf32, #tpu.memory_space<smem>>
    memref.store %div3A_59, %arg2[%swap3A] : memref<1xf32, #tpu.memory_space<smem>>
    return
  }
}

</mosaic_0001>

<sc_bundles>
// kernel: kernel.5.cloned.1.call-start
scs
__scs_entry_jumppad:
0x0: {  	(pc) =	sbr.rel $0x88, $3  }
0x1: {  	(tag) =	ssettag $0x0;
	lr =	simm.s32 $0x1  }
0x2: {  	[smem:$0x3F9F] =	sst lr;
	_ =	strace $0xD0000000  }
0x3: {  	_ = 	snop  }
0x4: {  	_ = 	snop  }
0x5: {  	_ = 	snop  }
0x6: {  	_ = 	snop  }
0x7: {  	_ = 	snop  }
__scs_overlays_trampoline_lowered:
0x8: {  	[smem:$0x3FAE] =	sst s0  }
0x9: {  	[smem:$0x3FAF] =	sst s1  }
0xa: {  	[smem:$0x3FB0] =	sst s2  }
0xb: {  	[smem:$0x3FB1] =	sst s3  }
0xc: {  	[smem:$0x3FB2] =	sst s4  }
0xd: {  	[smem:$0x3FB3] =	sst s5  }
0xe: {  	[smem:$0x3FB4] =	sst s6  }
0xf: {  	[smem:$0x3FB5] =	sst s7  }
0x10: {  	[smem:$0x3FB6] =	sst s8  }
0x11: {  	[smem:$0x3FB7] =	sst s9;
	s0 =	simm.s32 @!p0 $0x0  }
0x12: {  	s1 =	sld [smem:$0x3F9D];
	s0 =	simm.s32 @p0 $0x1  }
0x13: {  	[smem:$0x3FB8] =	sst s0;
	s0 =	simm.s32 @!p1 $0x0  }
0x14: {  	s2 =	sld [smem:$0x3F9C];
	s0 =	simm.s32 @p1 $0x1  }
0x15: {  	[smem:$0x3FB9] =	sst s0;
	s0 =	simm.s32 @!p2 $0x0  }
0x16: {  	s3 =	sld [smem:$0x3FDB];
	s0 =	simm.s32 @p2 $0x1  }
0x17: {  	s4 =	simm.s32 $0x1BF5;
	[smem:$0x3FBB] =	sst s0  }
0x18: {  	s0 =	sld [smem:$0x3F9E];
	_ =	swait.ge [sflag:s4], $0x0  }
0x19: {  	s7 =	sld [smem:$0x3F9F]  }
0x1a: {  	s8 =	sadd.s32 $0xFFFFE003, lr  }
0x1b: {  	s9 =	sadd.s32 $0xFFFFFEF7, lr;
	s5 =	simm.s32 $0xFFFFFFFF;
	p2 =	slt.u32 s8, $0xFFFFF086  }
0x1c: {  	p1 =	slt.u32 s9, $0xF7A;
	s5 =	simm.s32 @!p2 $0x0  }
0x1d: {  	s5 =	simm.s32 @p1 $0x1;
	p0 =	seq.s32 s7, s2  }
0x1e: {  	s7 =	smul.u32 @!p0 $0xF7A, s2;
	p2 =	seq.s32 @!p0 s5, $0x0  }
0x1f: {  	s9 =	smul.u32 $0xF7A, s1;
	s8 =	simm.s32 @!p0 $0x1BF5;
	p2 =	por !p2, p0  }
0x20: {  	[sflag:s8] =	ssyncset.s32 @!p0 $0xFFFFF086;
	s6 =	sadd.s32 @!p0 s3, s7;
	s7 =	simm.s32 @!p0 $0x108  }
0x21: {  	s3 =	sadd.s32 s3, s9;
	s6 =	sadd.s32 @!p0 $0x88, s6;
	s7 =	simm.s32 @p2 $0x1082  }
0x22: {  	[simem:s7], [sflag:s8] =	dma.local @!p0 [hbm:s6], $0xF7A  }
0x23: {  	s9 =	sor.u32 $0xD0000000, s2;
	s6 =	simm.s32 $0x108;
	_ =	swait.ge @!p0 [sflag:s8], $0x0  }
0x24: {  	s3 =	sadd.s32 $0x88, s3;
	s6 =	simm.s32 @!p1 $0x1082;
	[sflag:s4] =	ssyncset.s32 $0xFFFFF086  }
0x25: {  	[simem:s6], [sflag:s4] =	dma.local [hbm:s3], $0xF7A  }
0x26: {  	[smem:$0x3F9F] =	sst s1;
	(tag) =	ssettag s2;
	_ =	strace s9  }
0x27: {  	s1 =	sld [smem:$0x3FAF]  }
0x28: {  	s2 =	sld [smem:$0x3FB0]  }
0x29: {  	s4 =	sld [smem:$0x3FB2]  }
0x2a: {  	p0 =	seq.s32 s5, $0x0;
	s5 =	sld [smem:$0x3FB3]  }
0x2b: {  	s6 =	sld [smem:$0x3FB4]  }
0x2c: {  	s7 =	sld [smem:$0x3FB5]  }
0x2d: {  	s3 =	simm.s32 $0x108;
	s8 =	sld [smem:$0x3FB6]  }
0x2e: {  	s3 =	simm.s32 @!p0 $0x1082;
	s9 =	sld [smem:$0x3FB7]  }
0x2f: {  	lr =	sadd.s32 s0, s3;
	s0 =	sld [smem:$0x3FAE]  }
0x30: {  	s3 =	sld [smem:$0x3FB1]  }
0x31: {  	[smem:$0x3FBA] =	sst s10  }
0x32: {  	s10 =	sld [smem:$0x3FB8];
	_ =	sdelay $0x3  }
0x33: {  	p0 =	seq.s32 s10, $0x1;
	s10 =	sld [smem:$0x3FBA];
	_ =	sdelay $0x3  }
0x34: {  	[smem:$0x3FBA] =	sst s10  }
0x35: {  	s10 =	sld [smem:$0x3FB9];
	_ =	sdelay $0x3  }
0x36: {  	p1 =	seq.s32 s10, $0x1;
	s10 =	sld [smem:$0x3FBA];
	_ =	sdelay $0x3  }
0x37: {  	[smem:$0x3FBA] =	sst s10  }
0x38: {  	s10 =	sld [smem:$0x3FBB]  }
0x39: {  	_ = 	snop;
	(pc) =	sbr.ind lr, $3  }
0x3a: {  	_ = 	snop  }
0x3b: {  	_ = 	snop  }
0x3c: {  	p2 =	seq.s32 s10, $0x1;
	s10 =	sld [smem:$0x3FBA]  }
0x3d: {  	_ =	shalt  }
0x3e: {  	_ =	shalt  }
0x3f: {  	_ =	shalt  }
0x40: {  	_ =	shalt  }
0x41: {  	_ =	shalt  }
0x42: {  	_ =	shalt  }
0x43: {  	_ =	shalt  }
0x44: {  	_ =	shalt  }
0x45: {  	_ =	shalt  }
0x46: {  	_ =	shalt  }
0x47: {  	_ =	shalt  }
0x48: {  	_ =	shalt  }
0x49: {  	_ =	shalt  }
0x4a: {  	_ =	shalt  }
0x4b: {  	_ =	shalt  }
0x4c: {  	_ =	shalt  }
0x4d: {  	_ =	shalt  }
0x4e: {  	_ =	shalt  }
0x4f: {  	_ =	shalt  }
0x50: {  	_ =	shalt  }
0x51: {  	_ =	shalt  }
0x52: {  	_ =	shalt  }
0x53: {  	_ =	shalt  }
0x54: {  	_ =	shalt  }
0x55: {  	_ =	shalt  }
0x56: {  	_ =	shalt  }
0x57: {  	_ =	shalt  }
0x58: {  	_ =	shalt  }
0x59: {  	_ =	shalt  }
0x5a: {  	_ =	shalt  }
0x5b: {  	_ =	shalt  }
0x5c: {  	_ =	shalt  }
0x5d: {  	_ =	shalt  }
0x5e: {  	_ =	shalt  }
0x5f: {  	_ =	shalt  }
0x60: {  	_ =	shalt  }
0x61: {  	_ =	shalt  }
0x62: {  	_ =	shalt  }
0x63: {  	_ =	shalt  }
0x64: {  	_ =	shalt  }
0x65: {  	_ =	shalt  }
0x66: {  	_ =	shalt  }
0x67: {  	_ =	shalt  }
0x68: {  	_ =	shalt  }
0x69: {  	_ =	shalt  }
0x6a: {  	_ =	shalt  }
0x6b: {  	_ =	shalt  }
0x6c: {  	_ =	shalt  }
0x6d: {  	_ =	shalt  }
0x6e: {  	_ =	shalt  }
0x6f: {  	_ =	shalt  }
0x70: {  	_ =	shalt  }
0x71: {  	_ =	shalt  }
0x72: {  	_ =	shalt  }
0x73: {  	_ =	shalt  }
0x74: {  	_ =	shalt  }
0x75: {  	_ =	shalt  }
0x76: {  	_ =	shalt  }
0x77: {  	_ =	shalt  }
0x78: {  	_ =	shalt  }
0x79: {  	_ =	shalt  }
0x7a: {  	_ =	shalt  }
0x7b: {  	_ =	shalt  }
0x7c: {  	_ =	shalt  }
0x7d: {  	_ =	shalt  }
0x7e: {  	_ =	shalt  }
0x7f: {  	_ =	shalt  }
0x80: {  	_ =	shalt  }
0x81: {  	_ =	shalt  }
0x82: {  	_ =	shalt  }
0x83: {  	_ =	shalt  }
0x84: {  	_ =	shalt  }
0x85: {  	_ =	shalt  }
0x86: {  	_ =	shalt  }
0x87: {  	_ =	shalt  }
.Lfunc_end0:
.L_simem_size_0:
called_computation_lowered:
.L_overlay_start_0:
0x88: {  	s2 =	sld [smem:$0x3FD9]  }
0x89: {  	s3 =	sld [smem:$0x3FFE];
	_ =	sdelay $0x1  }
0x8a: {  	s1 =	srdreg.scid  }
0x8b: {  	s0 =	sand.u32 $0x1, s1  }
0x8c: {  	s16 =	sshll.u32 s0, $0xA;
	s2 =	sadd.s32 s3, s2  }
0x8d: {  	s2 =	sadd.s32 s2, s16  }
0x8e: {  	[smem:$0x3FC6] =	sst s2  }
0x8f: {  	_ = 	snop  }
0x90: {  	(tm) =	ssettm $0x1  }
0x91: {  	s17 =	sld [smem:$0x3FFB];
	_ =	sdelay $0x3  }
0x92: {  	_ =	strace s17  }
0x93: {  	s2 =	sld [smem:$0x3FFC];
	_ =	sdelay $0x3  }
0x94: {  	_ =	strace s2  }
0x95: {  	s2 =	sld [smem:$0x3FFD];
	_ =	sdelay $0x3  }
0x96: {  	_ =	strace s2  }
0x97: {  	_ =	strace $0x8FFFFFFF  }
0x98: {  	s18 =	sld [smem:$0x3FDB];
	_ =	sdelay $0x1  }
0x99: {  	s19 =	simm.s32 $_scs_section_size  }
0x9a: {  	s4 =	simm.s32 $_size__tile_overlayer_lowered;
	s5 =	simm.s32 $_tile_overlayer_lowered  }
0x9b: {  	s22 =	simm.s32 $0x1BFF;
	s21 =	sshll.u32 s5, $0x1;
	s2 =	sadd.s32 s19, s18  }
0x9c: {  	s6 =	simm.s32 $0x0;
	s20 =	sshll.u32 s4, $0x1;
	s4 =	sadd.s32 s21, s2  }
0x9d: {  	[timem:s6], [sflag:s22] =	dma.local [hbm:s4], s20  }
0x9e: {  	_ =	swait.ge [sflag:s22], s20  }
0x9f: {  	s3 =	ssub.s32 $0x0, s20;
	[sflag:s22] =	ssyncset.done $0x0  }
0xa0: {  	[sflag:s22] =	ssyncadd.s32 s3;
	_ =	sdelay $0x1  }
0xa1: {  	s23 =	simm.s32 $0x1B8B  }
0xa2: {  	_ =	swait.ge [sflag:s23], $0x1  }
0xa3: {  	[sflag:s23] =	ssyncset.done $0x0  }
0xa4: {  	s25 =	simm.s32 $0x1B8E;
	s24 =	sld [smem:$0x3FFE];
	[sflag:s23] =	ssyncadd.s32 $0xFFFFFFFF  }
0xa5: {  	s26 =	simm.s32 $execute0_lowered;
	[smem:$0x3FD2] =	sst s25  }
0xa6: {  	s4 =	sshll.u32 s26, $0x1;
	_ =	strace $0x80000046;
	[dreg:$0x1] =	wrdreg $0xFFFFFFFF  }
0xa7: {  	s28 =	simm.s32 $_size_execute0_lowered;
	s2 =	sadd.s32 s2, s4;
	[dreg:$0x0] =	wrdreg $0x0  }
0xa8: {  	s4 =	sshll.u32 s28, $0x1;
	[dreg:$0x2] =	wrdreg s2  }
0xa9: {  	[dreg:$0x3] =	wrdreg s4  }
0xaa: {  	[dreg:$0x4] =	wrdreg $0xC0  }
0xab: {  	_ =	task [dreg:s6], $0x5FFFF  }
0xac: {  	[dreg:$0x1] =	wrdreg $0xFFFFFFFF  }
0xad: {  	[dreg:$0x0] =	wrdreg $0x60  }
0xae: {  	[dreg:$0x2] =	wrdreg s24  }
0xaf: {  	[dreg:$0x3] =	wrdreg $0x9  }
0xb0: {  	_ =	task.clear_ibuf [dreg:s6], $0x4FFFF;
	_ =	strace $0x90000046  }
0xb1: {  	s29 =	simm.s32 $0x9;
	_ =	strace $0x80000048  }
0xb2: {  	_ =	swait.ge [sflag:s29], $0x1  }
0xb3: {  	[sflag:s29] =	ssyncadd.s32 $0xFFFFFFFF  }
0xb4: {  	_ =	strace $0x90000048  }
0xb5: {  	_ =	sfence  }
0xb6: {  	s30 =	sld [smem:$0x0];
	_ =	sdelay $0x2  }
0xb7: {  	s31 =	sshll.u32 s1, $0xD;
	s1 =	sshrl.u32 s1, $0x2  }
0xb8: {  	s3 =	sand.u32 $0x4000, s31;
	s1 =	sadd.s32 s1, s30  }
0xb9: {  	s0 =	sor.u32 s3, s0;
	s1 =	sshll.u32 s1, $0x11  }
0xba: {  	s0 =	sor.u32 s1, s0  }
0xbb: {  	s0 =	sadd.s32 $0x8F2B, s0  }
0xbc: {  	[sflag:s0] =	ssyncadd.remote.s32 $0x1  }
0xbd: {  	_ =	sfence.sel $0xFFFF  }
0xbe: {  	[dreg:$0x0] =	wrdreg $0xFFFFFFFF;
	(pc) =	sbr.abs _section_cstart, $3  }
0xbf: {  	[dreg:$0x1] =	wrdreg $0xFFFFFFFF  }
0xc0: {  	_ =	task.clear_ibuf [dreg:s6], $0x2FFFF;
	_ =	strace $0x9FFFFFFF  }
0xc1: {  	(tm) =	ssettm $0x7FFFFFFF  }
tec
execute0_lowered:
.L_overlay_start_1:
0x0: {  	(tag) =	ssettag $0x1  }
0x1: {  	v0 =	vimm.s32 $0xEFCDAB89;
	v1 =	vimm.s32 $0x67452301  }
0x2: {  	v2 =	vimm.s32 $0xDCFE98BA;
	v3 =	vimm.s32 $0x54761032;
	v4 =	vimm.s32 $0xBA98FEDC  }
0x3: {  	v5 =	vimm.s32 $0x32107654;
	v6 =	vimm.s32 $0xFEDCBA98;
	v7 =	vimm.s32 $0x76543210  }
0x4: {  	vm0 =	vmmov $0xffff;
	v0 =	vunpack.c.l.s4.s8 v0;
	v1 =	vunpack.c.l.s4.s8 v1  }
0x5: {  	s4 =	rddreg [dreg:$0x0];
	v2 =	vunpack.c.l.s4.s8 v2;
	v3 =	vunpack.c.l.s4.s8 v3;
	v4 =	vunpack.c.l.s4.s8 v4  }
0x6: {  	s0 =	rddreg [dreg:$0x1];
	s1 =	simm.s32 $0x0;
	s2 =	srdreg.scid;
	v5 =	vunpack.c.l.s4.s8 v5;
	v6 =	vunpack.c.l.s4.s8 v6;
	v0 =	vunpack.c.0.s8.s32 v0  }
0x7: {  	s9 =	simm.s32 $0x3E80;
	s10 =	simm.s32 $0x1;
	s11 =	simm.s32 $0x0;
	v1 =	vunpack.c.0.s8.s32 v1;
	v2 =	vunpack.c.0.s8.s32 v2;
	v3 =	vunpack.c.0.s8.s32 v3  }
0x8: {  	[smem:$0x7FF] =	sst s1;
	s6 =	sand.u32 $0x1, s2;
	s2 =	sadd.s32 $0xFE600, s4;
	v7 =	vunpack.c.l.s4.s8 v7;
	v4 =	vunpack.c.0.s8.s32 v4;
	v5 =	vunpack.c.0.s8.s32 v5  }
0x9: {  	s3 =	sadd.s32 $0x1600, s4;
	s5 =	sadd.s32 $0x7E600, s4;
	s7 =	ssub.s32 $0x2, s6;
	v1 =	vcombine.low v1, v0;
	v2 =	vcombine.low v3, v2;
	v3 =	vunpack.c.0.s8.s32 v6  }
0xa: {  	s4 =	stileid.u32;
	_ =	strace $0x80000047;
	s8 =	sshrl.u32 s7, $0x1;
	v4 =	vcombine.low v5, v4;
	v0 =	vlaneseq.u32;
	v5 =	vunpack.c.0.s8.s32 v7  }
0xb: {  	s31 =	sshll.u32 s4, $0x8;
	s6 =	sshll.u32 s6, $0x7;
	s7 =	ssub.s32 s7, s8;
	v1 =	vand.u32 $0xF, v1;
	v2 =	vand.u32 $0xF, v2;
	v6 =	vand.u32 $0xF, v3  }
0xc: {  	s6 =	sor.u32 s6, s31;
	s8 =	simm.s32 $0x2;
	s7 =	smax.u32 s7, $0x1;
	v3 =	vand.u32 $0xF, v4;
	v4 =	vcombine.low v6, v5;
	v5 =	vimm.s32 $0x0  }
.LBB2_1:
0xd: {  	s12 =	simm.s32 $0x0  }
.LBB2_2:
0xe: {  	s13 =	sshll.u32 s12, $0x4  }
0xf: {  	s13 =	sadd.s32 s6, s13  }
0x10: {  	s14 =	smul.u32 $0x7D, s13;
	_ =	sdelay $0x1  }
0x11: {  	s15 =	sadd.s32 s2, s14;
	s14 =	simm.s32 $0x0  }
0x12: {  	[tilespmem:s14], [sflag:$0x2] =	stream.linear.gather [hbm4b:s15+s14], $0x3E80, $0x38;
	[tilespmem:$0x3F00] =	vst v63  }
0x13: {  	_ =	swait.ge [sflag:s8], $0x3E80  }
0x14: {  	[sflag:s8] =	ssyncset.done $0x0  }
0x15: {  	v6 =	vimm.s32 $0x0;
	s15 =	simm.s32 $0x40;
	[sflag:s8] =	ssyncadd.s32 $0xFFFFC180  }
.LBB2_3:
0x16: {  	v7 =	vld [tilespmem:s15+$0xFFFFFFC0];
	_ =	sdelay $0x1  }
0x17: {  	v8 =	vld [tilespmem:s15+$0xFFFFFFD0];
	_ =	sdelay $0x1  }
0x18: {  	v9 =	vimm.f32 $-Inf;
	v10 =	vld [tilespmem:s15+$0xFFFFFFE0]  }
0x19: {  	vm1 =	vgt.f32 v7, v9  }
0x1a: {  	v7 =	vsel vm1, v7, v9;
	v9 =	vld [tilespmem:s15+$0xFFFFFFF0]  }
0x1b: {  	vm2 =	vgt.f32 v8, v7  }
0x1c: {  	v11 =	vld [tilespmem:s15+$0x0];
	s16 =	smul.u32 $0xFA0, s14;
	v7 =	vsel vm2, v8, v7  }
0x1d: {  	s17 =	simm.s32 $0x0;
	s18 =	simm.s32 $0x10;
	vm3 =	vgt.f32 v10, v7  }
0x1e: {  	v14 =	vor.u32 s18, v0;
	s16 =	sshra.s32 s16, $0x2;
	v8 =	vor.u32 s17, v0;
	v10 =	vsel vm3, v10, v7  }
0x1f: {  	v12 =	vld [tilespmem:s15+$0x10];
	s25 =	simm.s32 $0x20;
	v13 =	vsel vm1, v8, v5;
	v7 =	vmov s16;
	vm1 =	vgt.f32 v9, v10  }
0x20: {  	s26 =	simm.s32 $0x30;
	v9 =	vsel vm1, v9, v10;
	v10 =	vsel vm2, v14, v13;
	v13 =	vor.u32 s25, v0  }
0x21: {  	s28 =	simm.s32 $0x40;
	v8 =	vld [tilespmem:s15+$0x20];
	vm2 =	vgt.f32 v11, v9;
	v10 =	vsel vm3, v13, v10;
	v13 =	vor.u32 s26, v0  }
0x22: {  	v11 =	vsel vm2, v11, v9;
	v9 =	vsel vm1, v13, v10;
	v10 =	vor.u32 s28, v0  }
0x23: {  	s29 =	smin.u32 s17, $0x358;
	v14 =	vsel vm2, v10, v9;
	v9 =	vld [tilespmem:s15+$0x30]  }
0x24: {  	s30 =	simm.s32 $0x50;
	s19 =	sadd.s32 $0x80, s29;
	vm1 =	vgt.f32 v12, v11  }
0x25: {  	s31 =	simm.s32 $0x60;
	v15 =	vor.u32 s30, v0;
	v10 =	vld.idx.msk [tilespmem:v7+s19+$0x0 ss:$0x1], $0xffff;
	v13 =	vsel vm1, v12, v11  }
0x26: {  	s18 =	sadd.s32 $0x90, s15;
	s17 =	simm.s32 $0x0;
	s16 =	simm.s32 $0x70;
	v11 =	vsel vm1, v15, v14;
	v12 =	vor.u32 s31, v0;
	vm1 =	vgt.f32 v8, v13  }
.LBB2_4:
0x27: {  	v14 =	vld [tilespmem:s18+$0xFFFFFFC0];
	s17 =	sadd.s32 $0x9, s17;
	v8 =	vsel vm1, v8, v13;
	v11 =	vsel vm1, v12, v11  }
0x28: {  	v12 =	vor.u32 s16, v0;
	p0 =	slt.u32 s17, $0x36;
	vm1 =	vgt.f32 v9, v8  }
0x29: {  	v13 =	vld [tilespmem:s18+$0xFFFFFFD0];
	v8 =	vsel vm1, v9, v8;
	v9 =	vsel vm1, v12, v11  }
0x2a: {  	s16 =	sadd.s32 $0x90, s16;
	v11 =	vadd.s32 s19, v0;
	vm1 =	vgt.f32 v10, v8  }
0x2b: {  	s19 =	sadd.s32 $0xFFFFFF90, s16;
	v12 =	vld [tilespmem:s18+$0xFFFFFFE0];
	v8 =	vsel vm1, v10, v8;
	v9 =	vsel vm1, v11, v9  }
0x2c: {  	v10 =	vor.u32 s19, v0;
	vm1 =	vgt.f32 v14, v8  }
0x2d: {  	s20 =	sadd.s32 $0xFFFFFFA0, s16;
	v8 =	vsel vm1, v14, v8;
	v9 =	vsel vm1, v10, v9;
	v10 =	vld [tilespmem:s18+$0xFFFFFFF0]  }
0x2e: {  	v11 =	vor.u32 s20, v0;
	vm1 =	vgt.f32 v13, v8  }
0x2f: {  	s20 =	sadd.s32 $0xFFFFFFB0, s16;
	v8 =	vsel vm1, v13, v8;
	v9 =	vsel vm1, v11, v9;
	v11 =	vld [tilespmem:s18+$0x0]  }
0x30: {  	v13 =	vor.u32 s20, v0;
	vm1 =	vgt.f32 v12, v8  }
0x31: {  	s20 =	sadd.s32 $0xFFFFFFC0, s16;
	v8 =	vsel vm1, v12, v8;
	v9 =	vsel vm1, v13, v9;
	v12 =	vld [tilespmem:s18+$0x10]  }
0x32: {  	v13 =	vor.u32 s20, v0;
	vm1 =	vgt.f32 v10, v8  }
0x33: {  	s20 =	sadd.s32 $0xFFFFFFD0, s16;
	v10 =	vsel vm1, v10, v8;
	v9 =	vsel vm1, v13, v9;
	v8 =	vld [tilespmem:s18+$0x20]  }
.Ltmp0:
0x34: {  	s19 =	smin.u32 s19, $0x358;
	v13 =	vor.u32 s20, v0;
	vm1 =	vgt.f32 v11, v10;
	(pc) =	sbr.rel @p0 .LBB2_4-.Ltmp0, $4  }
0x35: {  	s19 =	sadd.s32 $0x80, s19;
	s20 =	sadd.s32 $0xFFFFFFE0, s16;
	v11 =	vsel vm1, v11, v10;
	v14 =	vsel vm1, v13, v9;
	v9 =	vld [tilespmem:s18+$0x30]  }
0x36: {  	v15 =	vor.u32 s20, v0;
	vm1 =	vgt.f32 v12, v11;
	v10 =	vld.idx.msk [tilespmem:v7+s19+$0x0 ss:$0x1], $0xffff  }
0x37: {  	s20 =	sadd.s32 $0xFFFFFFF0, s16;
	v13 =	vsel vm1, v12, v11;
	v11 =	vsel vm1, v15, v14  }
0x38: {  	s18 =	sadd.s32 $0x90, s18;
	v12 =	vor.u32 s20, v0;
	vm1 =	vgt.f32 v8, v13  }
0x39: {  	v7 =	vsel vm1, v8, v13  }
0x3a: {  	vm2 =	vgt.f32 v9, v7  }
0x3b: {  	v7 =	vsel vm2, v9, v7  }
0x3c: {  	vm3 =	vgt.f32 v10, v7  }
0x3d: {  	v7 =	vsel vm3, v10, v7  }
0x3e: {  	v8 =	vperm.xlane v7, v1;
	_ =	sdelay $0x1  }
0x3f: {  	v8 =	vmax.f32 v7, v8  }
0x40: {  	v58 =	vperm.xlane v8, v2;
	_ =	sdelay $0x1  }
0x41: {  	v8 =	vmax.f32 v8, v58  }
0x42: {  	v9 =	vperm.xlane v8, v3;
	_ =	sdelay $0x1  }
0x43: {  	v8 =	vmax.f32 v8, v9  }
0x44: {  	v9 =	vperm.xlane v8, v4  }
0x45: {  	v59 =	vsel vm1, v12, v11;
	v60 =	vor.u32 s16, v0  }
0x46: {  	v61 =	vadd.s32 s19, v0;
	v10 =	vsel vm2, v60, v59;
	v8 =	vmax.f32 v8, v9  }
0x47: {  	v62 =	vsel vm3, v61, v10;
	vm1 =	veq.f32 v7, v8  }
0x48: {  	v7 =	vnsel vm1, $0x40000000, v62  }
0x49: {  	v8 =	vperm.xlane v7, v1;
	_ =	sdelay $0x1  }
0x4a: {  	vm1 =	vlt.s32 v7, v8  }
0x4b: {  	v7 =	vsel vm1, v7, v8  }
0x4c: {  	v8 =	vperm.xlane v7, v2;
	_ =	sdelay $0x1  }
0x4d: {  	vm1 =	vlt.s32 v7, v8  }
0x4e: {  	v7 =	vsel vm1, v7, v8  }
0x4f: {  	v8 =	vperm.xlane v7, v3;
	_ =	sdelay $0x1  }
0x50: {  	vm1 =	vlt.s32 v7, v8  }
0x51: {  	s31 =	sadd.s32 s13, s14;
	v63 =	vmov s14;
	s14 =	sadd.s32 $0x1, s14;
	v7 =	vsel vm1, v7, v8  }
0x52: {  	p0 =	sne.s32 s14, $0x10;
	v8 =	vperm.xlane v7, v4  }
.Ltmp1:
0x53: {  	_ = 	snop;
	(pc) =	sbr.rel @p0 .LBB2_3-.Ltmp1, $4  }
0x54: {  	s16 =	smul.u32 $0x3E8, s31;
	vm1 =	vlt.s32 v7, v8  }
0x55: {  	v7 =	vsel vm1, v7, v8  }
0x56: {  	vm1 =	veq.s32 v63, v0;
	v7 =	vadd.s32 s16, v7  }
0x57: {  	s15 =	sadd.s32 $0x3E8, s15;
	v6 =	vsel vm1, v7, v6  }
0x58: {  	_ =	sdelay $0x3  }
0x59: {  	[tilespmem:s9], [sflag:$0x1] =	stream.indirect_vreg.gather [hbm4b:s3+s1], $0x1, v6, vm0, $0xb8;
	[tilespmem:$0x3F00] =	vst v63  }
0x5a: {  	s12 =	sadd.s32 $0x1, s12;
	_ =	swait.ge [sflag:s10], $0x10  }
0x5b: {  	s13 =	sshrl.u32 s13, $0x3;
	p0 =	sne.s32 s12, $0x8;
	[sflag:s10] =	ssyncset.done $0x0  }
.Ltmp2:
0x5c: {  	s13 =	sadd.s32 s5, s13;
	[sflag:s10] =	ssyncadd.s32 $0xFFFFFFF0;
	(pc) =	sbr.rel @p0 .LBB2_2-.Ltmp2, $4  }
0x5d: {  	[hbm4b:s13+s1] =	stream.linear.scatter [tilespmem:s9], [sflag:$0x2], $0x10, $0x38;
	[tilespmem:$0x3F00] =	vst v63  }
0x5e: {  	_ =	swait.ge [sflag:s8], $0x10  }
0x5f: {  	[sflag:s8] =	ssyncset.done $0x0  }
0x60: {  	[sflag:s8] =	ssyncadd.s32 $0xFFFFFFF0  }
0x61: {  	s11 =	sadd.s32 $0x1, s11  }
0x62: {  	p0 =	sne.s32 s11, s7  }
.Ltmp3:
0x63: {  	_ = 	snop;
	(pc) =	sbr.rel @p0 .LBB2_1-.Ltmp3, $1  }
0x64: {  	_ =	sdelay $0x3  }
0x65: {  	_ =	sfence.sel $0x180000  }
0x66: {  	[bflag:$0x0] =	sbarrier.arrive $0xFFFF  }
0x67: {  	p0 =	sne.s32 s4, $0x0;
	_ =	strace $0x90000047  }
0x68: {  	s0 =	sadd.s32 @!p0 $0x100000, s0;
	[bflag:$0x2] =	sbarrier.arrive $0xFFFF  }
0x69: {  	[sflag:s0] =	ssyncadd.tile.s32 @!p0 $0x1;
	_ =	shalt  }
.Lfunc_end2:
_tile_overlayer_lowered:
.L_overlay_start_2:
0x6a: {  	(tag) =	ssettag $0x2  }
0x6b: {  	s0 =	rddreg [dreg:$0x0];
	s2 =	stileid.u32  }
0x6c: {  	s1 =	rddreg [dreg:$0x1];
	p0 =	sne.s32 s2, $0x0  }
0x6d: {  	s3 =	rddreg [dreg:$0x2];
	[bflag:$0x3] =	sbarrier.arrive $0xFFFF;
	s2 =	simm.s32 @!p0 $0x1C02  }
0x6e: {  	[timem:s3], [sflag:s2] =	dma.local @!p0 [hbm:s0], s1  }
0x6f: {  	s0 =	simm.s32 @!p0 $0x2  }
0x70: {  	_ =	swait.ge @!p0 [sflag:s0], s1  }
0x71: {  	s1 =	ssub.s32 @!p0 $0x0, s1;
	[sflag:s0] =	ssyncset.done @!p0 $0x0  }
0x72: {  	[sflag:s0] =	ssyncadd.s32 @!p0 s1  }
0x73: {  	[bflag:$0x3] =	sbarrier.arrive $0xFFFF  }
0x74: {  	_ =	shalt  }

</sc_bundles>
